<compile_context>
chip_gen: v7x
topology: tpu7x:2x2x1
jax: 0.10.2.dev20260603
libtpu: 0.0.44.dev20260713+nightly
codegen_flags: <defaults>
</compile_context>

<pallas_src>
import functools

import jax
import jax.numpy as jnp
from jax import lax
from jax.experimental import pallas as pl
from jax.experimental.pallas import tpu as pltpu
from jax.experimental.pallas import tpu_sc as plsc

B, C, L = 4, 1024, 8192
K = 128
S = C // K
NW = 32
ROWS_PER_W = (B * K) // NW
CHUNK = 4
NCHUNK = ROWS_PER_W // CHUNK
NBUF = 2


def _sc_gather(x_hbm, out_hbm, buf, g_sem, w_sem):
    wid = lax.axis_index("s") * 2 + lax.axis_index("c")
    r0 = wid * ROWS_PER_W

    def gather(i, slot):
        return pltpu.async_copy(
            x_hbm.at[pl.ds(r0 + i * CHUNK, CHUNK), pl.ds(0, 1), :],
            buf.at[slot],
            g_sem.at[slot],
        )

    def write(i, slot):
        return pltpu.async_copy(
            buf.at[slot],
            out_hbm.at[pl.ds(r0 + i * CHUNK, CHUNK), :, :],
            w_sem.at[slot],
        )

    pending_g = [None] * NBUF
    prev_writes = [None] * NBUF
    pending_g[0] = gather(0, 0)
    for i in range(NCHUNK):
        slot = i % NBUF
        nslot = (i + 1) % NBUF
        if i + 1 < NCHUNK:
            if prev_writes[nslot] is not None:
                prev_writes[nslot].wait()
                prev_writes[nslot] = None
            pending_g[nslot] = gather(i + 1, nslot)
        pending_g[slot].wait()
        prev_writes[slot] = write(i, slot)
    for w in prev_writes:
        if w is not None:
            w.wait()


_gather_call = functools.partial(
    pl.kernel,
    out_type=jax.ShapeDtypeStruct((B * K, 1, L), jnp.float32),
    mesh=plsc.VectorSubcoreMesh(core_axis_name="c", subcore_axis_name="s"),
    scratch_types=[
        pltpu.VMEM((NBUF, CHUNK, 1, L), jnp.float32),
        pltpu.SemaphoreType.DMA((NBUF,)),
        pltpu.SemaphoreType.DMA((NBUF,)),
    ],
)(_sc_gather)


@jax.jit
def kernel(x):
    x3 = x.reshape(B * K, S, L)
    out = _gather_call(x3)
    return out.reshape(B, K, L)

# --- scband reference (transcript-rebuilt; emitter-appended) ---
"""Pipeline reference for scband-gather-28767690948818 (READ-ONLY COPY).

The authoritative reference and input builder live on the scoring server;
editing this copy changes nothing except your own understanding.
"""

import jax, jax.numpy as jnp
import numpy as np

# init_kwargs: dim=-1, tensor_space=3, index = multiples of 8 in [0, 1024)
IDX = jnp.arange(0, 1024, 8, dtype=jnp.int32)  # 128 channel indices


def setup_inputs(seed: int = 0) -> dict:
    key = jax.random.key(seed)
    x = jax.random.normal(key, (4, 1024, 8192), dtype=jnp.float32)  # [B, C, L]
    return {"x": x}


def reference(x):
    # tensor_space == 3 and x.ndim == 3 -> encoder permute(0, 2, 1): channels-last
    xp = jnp.transpose(x, (0, 2, 1))  # [B, L, C]
    # torch.gather along dim=-1 with a 1-D index expanded over leading dims
    # is equivalent to a take along the last axis
    g = jnp.take(xp, IDX, axis=-1)  # [B, L, K]
    # decoder permute(0, 2, 1): back to channels-first
    out = jnp.transpose(g, (0, 2, 1))  # [B, K, L]
    return out

if __name__ == "__main__":
    import jax
    _d = setup_inputs()
    print(jax.jit(kernel)(*tuple(_d.values())))

</pallas_src>

<mosaic_0001>
#map = affine_map<(d0, d1) -> (0, 0, 0)>
module attributes {stable_mosaic.version = 14 : i64} {
  func.func @_sc_gather(%arg0: i32, %arg1: i32, %arg2: memref<512x8x8192xf32, #tpu.memory_space<hbm>>, %arg3: memref<512x1x8192xf32, #tpu.memory_space<hbm>>, %arg4: memref<2x4x1x8192xf32, #tpu.memory_space<vmem>>, %arg5: memref<2x!tpu.dma_semaphore, #tpu.memory_space<semaphore_mem>>, %arg6: memref<2x!tpu.dma_semaphore, #tpu.memory_space<semaphore_mem>>) attributes {dimension_semantics = [#tpu.dimension_semantics<core_parallel>, #tpu.dimension_semantics<subcore_parallel>], iteration_bounds = array<i64: 2, 16>, scalar_prefetch = 0 : i64, scratch_operands = 3 : i64, tpu.core_type = #tpu.core_type<sc_vector_subcore>, window_params = [{transform_indices = #map}, {transform_indices = #map}]} {
    %mul3A = arith.constant 2 : i32
    %mul3A_0 = arith.muli %arg1, %mul3A : i32
    %add3A = arith.addi %mul3A_0, %arg0 : i32
    %mul3A_1 = arith.constant 16 : i32
    %mul3A_2 = arith.muli %add3A, %mul3A_1 : i32
    %add3A_3 = arith.constant 0 : i32
    %add3A_4 = arith.addi %mul3A_2, %add3A_3 : i32
    %dma_start3A = arith.constant 0 : i32
    %dma_start3A_5 = arith.constant 0 : i32
    %dma_start3A_6 = arith.constant 0 : i32
    %dma_start3A_7 = arith.constant 0 : i32
    %dma_start3A_8 = arith.constant 0 : i32
    %dma_start3A_9 = tpu.memref_slice %arg4[%dma_start3A, %dma_start3A_6, %dma_start3A_7, %dma_start3A_8] : memref<2x4x1x8192xf32, #tpu.memory_space<vmem>> -> memref<1x4x1x8192xf32, #tpu.memory_space<vmem>>
    %dma_start3A_10 = tpu.memref_squeeze %dma_start3A_9 : memref<1x4x1x8192xf32, #tpu.memory_space<vmem>> -> memref<4x1x8192xf32, #tpu.memory_space<vmem>>
    %dma_start3A_11 = arith.constant 0 : i32
    %dma_start3A_12 = arith.constant 0 : i32
    %dma_start3A_13 = tpu.memref_slice %arg2[%add3A_4, %dma_start3A_11, %dma_start3A_12] : memref<512x8x8192xf32, #tpu.memory_space<hbm>> -> memref<4x1x8192xf32, #tpu.memory_space<hbm>>
    %dma_start3A_14 = tpu.memref_slice %arg5[%dma_start3A_5] : memref<2x!tpu.dma_semaphore, #tpu.memory_space<semaphore_mem>> -> memref<1x!tpu.dma_semaphore, #tpu.memory_space<semaphore_mem>>
    %dma_start3A_15 = tpu.memref_squeeze %dma_start3A_14 : memref<1x!tpu.dma_semaphore, #tpu.memory_space<semaphore_mem>> -> memref<!tpu.dma_semaphore, #tpu.memory_space<semaphore_mem>>
    %dma_start3A_16 = arith.constant 0 : i32
    %dma_start3A_17 = arith.constant 0 : i32
    %dma_start3A_18 = arith.constant 0 : i32
    %dma_start3A_19 = tpu.memref_slice %arg4[%dma_start3A, %dma_start3A_16, %dma_start3A_17, %dma_start3A_18] : memref<2x4x1x8192xf32, #tpu.memory_space<vmem>> -> memref<1x4x1x8192xf32, #tpu.memory_space<vmem>>
    %dma_start3A_20 = tpu.memref_squeeze %dma_start3A_19 : memref<1x4x1x8192xf32, #tpu.memory_space<vmem>> -> memref<4x1x8192xf32, #tpu.memory_space<vmem>>
    %dma_start3A_21 = arith.constant 0 : i32
    %dma_start3A_22 = arith.constant 0 : i32
    %dma_start3A_23 = tpu.memref_slice %arg2[%add3A_4, %dma_start3A_21, %dma_start3A_22] : memref<512x8x8192xf32, #tpu.memory_space<hbm>> -> memref<4x1x8192xf32, #tpu.memory_space<hbm>>
    tpu.enqueue_dma source(%dma_start3A_23 : memref<4x1x8192xf32, #tpu.memory_space<hbm>>) target(%dma_start3A_20 : memref<4x1x8192xf32, #tpu.memory_space<vmem>>) target_semaphore(%dma_start3A_15 : memref<!tpu.dma_semaphore, #tpu.memory_space<semaphore_mem>>)
    %add3A_24 = arith.constant 4 : i32
    %add3A_25 = arith.addi %mul3A_2, %add3A_24 : i32
    %dma_start3A_26 = arith.constant 1 : i32
    %dma_start3A_27 = arith.constant 1 : i32
    %dma_start3A_28 = arith.constant 0 : i32
    %dma_start3A_29 = arith.constant 0 : i32
    %dma_start3A_30 = arith.constant 0 : i32
    %dma_start3A_31 = tpu.memref_slice %arg4[%dma_start3A_26, %dma_start3A_28, %dma_start3A_29, %dma_start3A_30] : memref<2x4x1x8192xf32, #tpu.memory_space<vmem>> -> memref<1x4x1x8192xf32, #tpu.memory_space<vmem>>
    %dma_start3A_32 = tpu.memref_squeeze %dma_start3A_31 : memref<1x4x1x8192xf32, #tpu.memory_space<vmem>> -> memref<4x1x8192xf32, #tpu.memory_space<vmem>>
    %dma_start3A_33 = arith.constant 0 : i32
    %dma_start3A_34 = arith.constant 0 : i32
    %dma_start3A_35 = tpu.memref_slice %arg2[%add3A_25, %dma_start3A_33, %dma_start3A_34] : memref<512x8x8192xf32, #tpu.memory_space<hbm>> -> memref<4x1x8192xf32, #tpu.memory_space<hbm>>
    %dma_start3A_36 = tpu.memref_slice %arg5[%dma_start3A_27] : memref<2x!tpu.dma_semaphore, #tpu.memory_space<semaphore_mem>> -> memref<1x!tpu.dma_semaphore, #tpu.memory_space<semaphore_mem>>
    %dma_start3A_37 = tpu.memref_squeeze %dma_start3A_36 : memref<1x!tpu.dma_semaphore, #tpu.memory_space<semaphore_mem>> -> memref<!tpu.dma_semaphore, #tpu.memory_space<semaphore_mem>>
    %dma_start3A_38 = arith.constant 0 : i32
    %dma_start3A_39 = arith.constant 0 : i32
    %dma_start3A_40 = arith.constant 0 : i32
    %dma_start3A_41 = tpu.memref_slice %arg4[%dma_start3A_26, %dma_start3A_38, %dma_start3A_39, %dma_start3A_40] : memref<2x4x1x8192xf32, #tpu.memory_space<vmem>> -> memref<1x4x1x8192xf32, #tpu.memory_space<vmem>>
    %dma_start3A_42 = tpu.memref_squeeze %dma_start3A_41 : memref<1x4x1x8192xf32, #tpu.memory_space<vmem>> -> memref<4x1x8192xf32, #tpu.memory_space<vmem>>
    %dma_start3A_43 = arith.constant 0 : i32
    %dma_start3A_44 = arith.constant 0 : i32
    %dma_start3A_45 = tpu.memref_slice %arg2[%add3A_25, %dma_start3A_43, %dma_start3A_44] : memref<512x8x8192xf32, #tpu.memory_space<hbm>> -> memref<4x1x8192xf32, #tpu.memory_space<hbm>>
    tpu.enqueue_dma source(%dma_start3A_45 : memref<4x1x8192xf32, #tpu.memory_space<hbm>>) target(%dma_start3A_42 : memref<4x1x8192xf32, #tpu.memory_space<vmem>>) target_semaphore(%dma_start3A_37 : memref<!tpu.dma_semaphore, #tpu.memory_space<semaphore_mem>>)
    %dma_wait3A = arith.constant 0 : i32
    %dma_wait3A_46 = arith.constant 0 : i32
    %dma_wait3A_47 = arith.constant 0 : i32
    %dma_wait3A_48 = arith.constant 0 : i32
    %dma_wait3A_49 = arith.constant 0 : i32
    %dma_wait3A_50 = tpu.memref_slice %arg4[%dma_wait3A, %dma_wait3A_47, %dma_wait3A_48, %dma_wait3A_49] : memref<2x4x1x8192xf32, #tpu.memory_space<vmem>> -> memref<1x4x1x8192xf32, #tpu.memory_space<vmem>>
    %dma_wait3A_51 = tpu.memref_squeeze %dma_wait3A_50 : memref<1x4x1x8192xf32, #tpu.memory_space<vmem>> -> memref<4x1x8192xf32, #tpu.memory_space<vmem>>
    %dma_wait3A_52 = arith.constant 0 : i32
    %dma_wait3A_53 = arith.constant 0 : i32
    %dma_wait3A_54 = tpu.memref_slice %arg2[%add3A_4, %dma_wait3A_52, %dma_wait3A_53] : memref<512x8x8192xf32, #tpu.memory_space<hbm>> -> memref<4x1x8192xf32, #tpu.memory_space<hbm>>
    %dma_wait3A_55 = tpu.memref_slice %arg5[%dma_wait3A_46] : memref<2x!tpu.dma_semaphore, #tpu.memory_space<semaphore_mem>> -> memref<1x!tpu.dma_semaphore, #tpu.memory_space<semaphore_mem>>
    %dma_wait3A_56 = tpu.memref_squeeze %dma_wait3A_55 : memref<1x!tpu.dma_semaphore, #tpu.memory_space<semaphore_mem>> -> memref<!tpu.dma_semaphore, #tpu.memory_space<semaphore_mem>>
    %dma_wait3A_57 = arith.constant 0 : i32
    %dma_wait3A_58 = arith.constant 0 : i32
    %dma_wait3A_59 = arith.constant 0 : i32
    %dma_wait3A_60 = tpu.memref_slice %arg4[%dma_wait3A, %dma_wait3A_57, %dma_wait3A_58, %dma_wait3A_59] : memref<2x4x1x8192xf32, #tpu.memory_space<vmem>> -> memref<1x4x1x8192xf32, #tpu.memory_space<vmem>>
    %dma_wait3A_61 = tpu.memref_squeeze %dma_wait3A_60 : memref<1x4x1x8192xf32, #tpu.memory_space<vmem>> -> memref<4x1x8192xf32, #tpu.memory_space<vmem>>
    %dma_wait3A_62 = arith.constant 0 : i32
    %dma_wait3A_63 = arith.constant 0 : i32
    %dma_wait3A_64 = tpu.memref_slice %arg2[%add3A_4, %dma_wait3A_62, %dma_wait3A_63] : memref<512x8x8192xf32, #tpu.memory_space<hbm>> -> memref<4x1x8192xf32, #tpu.memory_space<hbm>>
    tpu.wait_dma2 semaphore(%dma_wait3A_56 : memref<!tpu.dma_semaphore, #tpu.memory_space<semaphore_mem>>) src(%dma_wait3A_64 : memref<4x1x8192xf32, #tpu.memory_space<hbm>>) dst(%dma_wait3A_61 : memref<4x1x8192xf32, #tpu.memory_space<vmem>>)
    %add3A_65 = arith.constant 0 : i32
    %add3A_66 = arith.addi %mul3A_2, %add3A_65 : i32
    %dma_start3A_67 = arith.constant 0 : i32
    %dma_start3A_68 = arith.constant 0 : i32
    %dma_start3A_69 = arith.constant 0 : i32
    %dma_start3A_70 = arith.constant 0 : i32
    %dma_start3A_71 = arith.constant 0 : i32
    %dma_start3A_72 = tpu.memref_slice %arg4[%dma_start3A_67, %dma_start3A_69, %dma_start3A_70, %dma_start3A_71] : memref<2x4x1x8192xf32, #tpu.memory_space<vmem>> -> memref<1x4x1x8192xf32, #tpu.memory_space<vmem>>
    %dma_start3A_73 = tpu.memref_squeeze %dma_start3A_72 : memref<1x4x1x8192xf32, #tpu.memory_space<vmem>> -> memref<4x1x8192xf32, #tpu.memory_space<vmem>>
    %dma_start3A_74 = arith.constant 0 : i32
    %dma_start3A_75 = arith.constant 0 : i32
    %dma_start3A_76 = tpu.memref_slice %arg3[%add3A_66, %dma_start3A_74, %dma_start3A_75] : memref<512x1x8192xf32, #tpu.memory_space<hbm>> -> memref<4x1x8192xf32, #tpu.memory_space<hbm>>
    %dma_start3A_77 = tpu.memref_slice %arg6[%dma_start3A_68] : memref<2x!tpu.dma_semaphore, #tpu.memory_space<semaphore_mem>> -> memref<1x!tpu.dma_semaphore, #tpu.memory_space<semaphore_mem>>
    %dma_start3A_78 = tpu.memref_squeeze %dma_start3A_77 : memref<1x!tpu.dma_semaphore, #tpu.memory_space<semaphore_mem>> -> memref<!tpu.dma_semaphore, #tpu.memory_space<semaphore_mem>>
    %dma_start3A_79 = arith.constant 0 : i32
    %dma_start3A_80 = arith.constant 0 : i32
    %dma_start3A_81 = tpu.memref_slice %arg3[%add3A_66, %dma_start3A_79, %dma_start3A_80] : memref<512x1x8192xf32, #tpu.memory_space<hbm>> -> memref<4x1x8192xf32, #tpu.memory_space<hbm>>
    %dma_start3A_82 = arith.constant 0 : i32
    %dma_start3A_83 = arith.constant 0 : i32
    %dma_start3A_84 = arith.constant 0 : i32
    %dma_start3A_85 = tpu.memref_slice %arg4[%dma_start3A_67, %dma_start3A_82, %dma_start3A_83, %dma_start3A_84] : memref<2x4x1x8192xf32, #tpu.memory_space<vmem>> -> memref<1x4x1x8192xf32, #tpu.memory_space<vmem>>
    %dma_start3A_86 = tpu.memref_squeeze %dma_start3A_85 : memref<1x4x1x8192xf32, #tpu.memory_space<vmem>> -> memref<4x1x8192xf32, #tpu.memory_space<vmem>>
    tpu.enqueue_dma source(%dma_start3A_86 : memref<4x1x8192xf32, #tpu.memory_space<vmem>>) target(%dma_start3A_81 : memref<4x1x8192xf32, #tpu.memory_space<hbm>>) target_semaphore(%dma_start3A_78 : memref<!tpu.dma_semaphore, #tpu.memory_space<semaphore_mem>>)
    %dma_wait3A_87 = arith.constant 0 : i32
    %dma_wait3A_88 = arith.constant 0 : i32
    %dma_wait3A_89 = arith.constant 0 : i32
    %dma_wait3A_90 = arith.constant 0 : i32
    %dma_wait3A_91 = arith.constant 0 : i32
    %dma_wait3A_92 = tpu.memref_slice %arg4[%dma_wait3A_87, %dma_wait3A_89, %dma_wait3A_90, %dma_wait3A_91] : memref<2x4x1x8192xf32, #tpu.memory_space<vmem>> -> memref<1x4x1x8192xf32, #tpu.memory_space<vmem>>
    %dma_wait3A_93 = tpu.memref_squeeze %dma_wait3A_92 : memref<1x4x1x8192xf32, #tpu.memory_space<vmem>> -> memref<4x1x8192xf32, #tpu.memory_space<vmem>>
    %dma_wait3A_94 = arith.constant 0 : i32
    %dma_wait3A_95 = arith.constant 0 : i32
    %dma_wait3A_96 = tpu.memref_slice %arg3[%add3A_66, %dma_wait3A_94, %dma_wait3A_95] : memref<512x1x8192xf32, #tpu.memory_space<hbm>> -> memref<4x1x8192xf32, #tpu.memory_space<hbm>>
    %dma_wait3A_97 = tpu.memref_slice %arg6[%dma_wait3A_88] : memref<2x!tpu.dma_semaphore, #tpu.memory_space<semaphore_mem>> -> memref<1x!tpu.dma_semaphore, #tpu.memory_space<semaphore_mem>>
    %dma_wait3A_98 = tpu.memref_squeeze %dma_wait3A_97 : memref<1x!tpu.dma_semaphore, #tpu.memory_space<semaphore_mem>> -> memref<!tpu.dma_semaphore, #tpu.memory_space<semaphore_mem>>
    %dma_wait3A_99 = arith.constant 0 : i32
    %dma_wait3A_100 = arith.constant 0 : i32
    %dma_wait3A_101 = tpu.memref_slice %arg3[%add3A_66, %dma_wait3A_99, %dma_wait3A_100] : memref<512x1x8192xf32, #tpu.memory_space<hbm>> -> memref<4x1x8192xf32, #tpu.memory_space<hbm>>
    %dma_wait3A_102 = arith.constant 0 : i32
    %dma_wait3A_103 = arith.constant 0 : i32
    %dma_wait3A_104 = arith.constant 0 : i32
    %dma_wait3A_105 = tpu.memref_slice %arg4[%dma_wait3A_87, %dma_wait3A_102, %dma_wait3A_103, %dma_wait3A_104] : memref<2x4x1x8192xf32, #tpu.memory_space<vmem>> -> memref<1x4x1x8192xf32, #tpu.memory_space<vmem>>
    %dma_wait3A_106 = tpu.memref_squeeze %dma_wait3A_105 : memref<1x4x1x8192xf32, #tpu.memory_space<vmem>> -> memref<4x1x8192xf32, #tpu.memory_space<vmem>>
    tpu.wait_dma2 semaphore(%dma_wait3A_98 : memref<!tpu.dma_semaphore, #tpu.memory_space<semaphore_mem>>) src(%dma_wait3A_106 : memref<4x1x8192xf32, #tpu.memory_space<vmem>>) dst(%dma_wait3A_101 : memref<4x1x8192xf32, #tpu.memory_space<hbm>>)
    %add3A_107 = arith.constant 8 : i32
    %add3A_108 = arith.addi %mul3A_2, %add3A_107 : i32
    %dma_start3A_109 = arith.constant 0 : i32
    %dma_start3A_110 = arith.constant 0 : i32
    %dma_start3A_111 = arith.constant 0 : i32
    %dma_start3A_112 = arith.constant 0 : i32
    %dma_start3A_113 = arith.constant 0 : i32
    %dma_start3A_114 = tpu.memref_slice %arg4[%dma_start3A_109, %dma_start3A_111, %dma_start3A_112, %dma_start3A_113] : memref<2x4x1x8192xf32, #tpu.memory_space<vmem>> -> memref<1x4x1x8192xf32, #tpu.memory_space<vmem>>
    %dma_start3A_115 = tpu.memref_squeeze %dma_start3A_114 : memref<1x4x1x8192xf32, #tpu.memory_space<vmem>> -> memref<4x1x8192xf32, #tpu.memory_space<vmem>>
    %dma_start3A_116 = arith.constant 0 : i32
    %dma_start3A_117 = arith.constant 0 : i32
    %dma_start3A_118 = tpu.memref_slice %arg2[%add3A_108, %dma_start3A_116, %dma_start3A_117] : memref<512x8x8192xf32, #tpu.memory_space<hbm>> -> memref<4x1x8192xf32, #tpu.memory_space<hbm>>
    %dma_start3A_119 = tpu.memref_slice %arg5[%dma_start3A_110] : memref<2x!tpu.dma_semaphore, #tpu.memory_space<semaphore_mem>> -> memref<1x!tpu.dma_semaphore, #tpu.memory_space<semaphore_mem>>
    %dma_start3A_120 = tpu.memref_squeeze %dma_start3A_119 : memref<1x!tpu.dma_semaphore, #tpu.memory_space<semaphore_mem>> -> memref<!tpu.dma_semaphore, #tpu.memory_space<semaphore_mem>>
    %dma_start3A_121 = arith.constant 0 : i32
    %dma_start3A_122 = arith.constant 0 : i32
    %dma_start3A_123 = arith.constant 0 : i32
    %dma_start3A_124 = tpu.memref_slice %arg4[%dma_start3A_109, %dma_start3A_121, %dma_start3A_122, %dma_start3A_123] : memref<2x4x1x8192xf32, #tpu.memory_space<vmem>> -> memref<1x4x1x8192xf32, #tpu.memory_space<vmem>>
    %dma_start3A_125 = tpu.memref_squeeze %dma_start3A_124 : memref<1x4x1x8192xf32, #tpu.memory_space<vmem>> -> memref<4x1x8192xf32, #tpu.memory_space<vmem>>
    %dma_start3A_126 = arith.constant 0 : i32
    %dma_start3A_127 = arith.constant 0 : i32
    %dma_start3A_128 = tpu.memref_slice %arg2[%add3A_108, %dma_start3A_126, %dma_start3A_127] : memref<512x8x8192xf32, #tpu.memory_space<hbm>> -> memref<4x1x8192xf32, #tpu.memory_space<hbm>>
    tpu.enqueue_dma source(%dma_start3A_128 : memref<4x1x8192xf32, #tpu.memory_space<hbm>>) target(%dma_start3A_125 : memref<4x1x8192xf32, #tpu.memory_space<vmem>>) target_semaphore(%dma_start3A_120 : memref<!tpu.dma_semaphore, #tpu.memory_space<semaphore_mem>>)
    %dma_wait3A_129 = arith.constant 1 : i32
    %dma_wait3A_130 = arith.constant 1 : i32
    %dma_wait3A_131 = arith.constant 0 : i32
    %dma_wait3A_132 = arith.constant 0 : i32
    %dma_wait3A_133 = arith.constant 0 : i32
    %dma_wait3A_134 = tpu.memref_slice %arg4[%dma_wait3A_129, %dma_wait3A_131, %dma_wait3A_132, %dma_wait3A_133] : memref<2x4x1x8192xf32, #tpu.memory_space<vmem>> -> memref<1x4x1x8192xf32, #tpu.memory_space<vmem>>
    %dma_wait3A_135 = tpu.memref_squeeze %dma_wait3A_134 : memref<1x4x1x8192xf32, #tpu.memory_space<vmem>> -> memref<4x1x8192xf32, #tpu.memory_space<vmem>>
    %dma_wait3A_136 = arith.constant 0 : i32
    %dma_wait3A_137 = arith.constant 0 : i32
    %dma_wait3A_138 = tpu.memref_slice %arg2[%add3A_25, %dma_wait3A_136, %dma_wait3A_137] : memref<512x8x8192xf32, #tpu.memory_space<hbm>> -> memref<4x1x8192xf32, #tpu.memory_space<hbm>>
    %dma_wait3A_139 = tpu.memref_slice %arg5[%dma_wait3A_130] : memref<2x!tpu.dma_semaphore, #tpu.memory_space<semaphore_mem>> -> memref<1x!tpu.dma_semaphore, #tpu.memory_space<semaphore_mem>>
    %dma_wait3A_140 = tpu.memref_squeeze %dma_wait3A_139 : memref<1x!tpu.dma_semaphore, #tpu.memory_space<semaphore_mem>> -> memref<!tpu.dma_semaphore, #tpu.memory_space<semaphore_mem>>
    %dma_wait3A_141 = arith.constant 0 : i32
    %dma_wait3A_142 = arith.constant 0 : i32
    %dma_wait3A_143 = arith.constant 0 : i32
    %dma_wait3A_144 = tpu.memref_slice %arg4[%dma_wait3A_129, %dma_wait3A_141, %dma_wait3A_142, %dma_wait3A_143] : memref<2x4x1x8192xf32, #tpu.memory_space<vmem>> -> memref<1x4x1x8192xf32, #tpu.memory_space<vmem>>
    %dma_wait3A_145 = tpu.memref_squeeze %dma_wait3A_144 : memref<1x4x1x8192xf32, #tpu.memory_space<vmem>> -> memref<4x1x8192xf32, #tpu.memory_space<vmem>>
    %dma_wait3A_146 = arith.constant 0 : i32
    %dma_wait3A_147 = arith.constant 0 : i32
    %dma_wait3A_148 = tpu.memref_slice %arg2[%add3A_25, %dma_wait3A_146, %dma_wait3A_147] : memref<512x8x8192xf32, #tpu.memory_space<hbm>> -> memref<4x1x8192xf32, #tpu.memory_space<hbm>>
    tpu.wait_dma2 semaphore(%dma_wait3A_140 : memref<!tpu.dma_semaphore, #tpu.memory_space<semaphore_mem>>) src(%dma_wait3A_148 : memref<4x1x8192xf32, #tpu.memory_space<hbm>>) dst(%dma_wait3A_145 : memref<4x1x8192xf32, #tpu.memory_space<vmem>>)
    %add3A_149 = arith.constant 4 : i32
    %add3A_150 = arith.addi %mul3A_2, %add3A_149 : i32
    %dma_start3A_151 = arith.constant 1 : i32
    %dma_start3A_152 = arith.constant 1 : i32
    %dma_start3A_153 = arith.constant 0 : i32
    %dma_start3A_154 = arith.constant 0 : i32
    %dma_start3A_155 = arith.constant 0 : i32
    %dma_start3A_156 = tpu.memref_slice %arg4[%dma_start3A_151, %dma_start3A_153, %dma_start3A_154, %dma_start3A_155] : memref<2x4x1x8192xf32, #tpu.memory_space<vmem>> -> memref<1x4x1x8192xf32, #tpu.memory_space<vmem>>
    %dma_start3A_157 = tpu.memref_squeeze %dma_start3A_156 : memref<1x4x1x8192xf32, #tpu.memory_space<vmem>> -> memref<4x1x8192xf32, #tpu.memory_space<vmem>>
    %dma_start3A_158 = arith.constant 0 : i32
    %dma_start3A_159 = arith.constant 0 : i32
    %dma_start3A_160 = tpu.memref_slice %arg3[%add3A_150, %dma_start3A_158, %dma_start3A_159] : memref<512x1x8192xf32, #tpu.memory_space<hbm>> -> memref<4x1x8192xf32, #tpu.memory_space<hbm>>
    %dma_start3A_161 = tpu.memref_slice %arg6[%dma_start3A_152] : memref<2x!tpu.dma_semaphore, #tpu.memory_space<semaphore_mem>> -> memref<1x!tpu.dma_semaphore, #tpu.memory_space<semaphore_mem>>
    %dma_start3A_162 = tpu.memref_squeeze %dma_start3A_161 : memref<1x!tpu.dma_semaphore, #tpu.memory_space<semaphore_mem>> -> memref<!tpu.dma_semaphore, #tpu.memory_space<semaphore_mem>>
    %dma_start3A_163 = arith.constant 0 : i32
    %dma_start3A_164 = arith.constant 0 : i32
    %dma_start3A_165 = tpu.memref_slice %arg3[%add3A_150, %dma_start3A_163, %dma_start3A_164] : memref<512x1x8192xf32, #tpu.memory_space<hbm>> -> memref<4x1x8192xf32, #tpu.memory_space<hbm>>
    %dma_start3A_166 = arith.constant 0 : i32
    %dma_start3A_167 = arith.constant 0 : i32
    %dma_start3A_168 = arith.constant 0 : i32
    %dma_start3A_169 = tpu.memref_slice %arg4[%dma_start3A_151, %dma_start3A_166, %dma_start3A_167, %dma_start3A_168] : memref<2x4x1x8192xf32, #tpu.memory_space<vmem>> -> memref<1x4x1x8192xf32, #tpu.memory_space<vmem>>
    %dma_start3A_170 = tpu.memref_squeeze %dma_start3A_169 : memref<1x4x1x8192xf32, #tpu.memory_space<vmem>> -> memref<4x1x8192xf32, #tpu.memory_space<vmem>>
    tpu.enqueue_dma source(%dma_start3A_170 : memref<4x1x8192xf32, #tpu.memory_space<vmem>>) target(%dma_start3A_165 : memref<4x1x8192xf32, #tpu.memory_space<hbm>>) target_semaphore(%dma_start3A_162 : memref<!tpu.dma_semaphore, #tpu.memory_space<semaphore_mem>>)
    %dma_wait3A_171 = arith.constant 1 : i32
    %dma_wait3A_172 = arith.constant 1 : i32
    %dma_wait3A_173 = arith.constant 0 : i32
    %dma_wait3A_174 = arith.constant 0 : i32
    %dma_wait3A_175 = arith.constant 0 : i32
    %dma_wait3A_176 = tpu.memref_slice %arg4[%dma_wait3A_171, %dma_wait3A_173, %dma_wait3A_174, %dma_wait3A_175] : memref<2x4x1x8192xf32, #tpu.memory_space<vmem>> -> memref<1x4x1x8192xf32, #tpu.memory_space<vmem>>
    %dma_wait3A_177 = tpu.memref_squeeze %dma_wait3A_176 : memref<1x4x1x8192xf32, #tpu.memory_space<vmem>> -> memref<4x1x8192xf32, #tpu.memory_space<vmem>>
    %dma_wait3A_178 = arith.constant 0 : i32
    %dma_wait3A_179 = arith.constant 0 : i32
    %dma_wait3A_180 = tpu.memref_slice %arg3[%add3A_150, %dma_wait3A_178, %dma_wait3A_179] : memref<512x1x8192xf32, #tpu.memory_space<hbm>> -> memref<4x1x8192xf32, #tpu.memory_space<hbm>>
    %dma_wait3A_181 = tpu.memref_slice %arg6[%dma_wait3A_172] : memref<2x!tpu.dma_semaphore, #tpu.memory_space<semaphore_mem>> -> memref<1x!tpu.dma_semaphore, #tpu.memory_space<semaphore_mem>>
    %dma_wait3A_182 = tpu.memref_squeeze %dma_wait3A_181 : memref<1x!tpu.dma_semaphore, #tpu.memory_space<semaphore_mem>> -> memref<!tpu.dma_semaphore, #tpu.memory_space<semaphore_mem>>
    %dma_wait3A_183 = arith.constant 0 : i32
    %dma_wait3A_184 = arith.constant 0 : i32
    %dma_wait3A_185 = tpu.memref_slice %arg3[%add3A_150, %dma_wait3A_183, %dma_wait3A_184] : memref<512x1x8192xf32, #tpu.memory_space<hbm>> -> memref<4x1x8192xf32, #tpu.memory_space<hbm>>
    %dma_wait3A_186 = arith.constant 0 : i32
    %dma_wait3A_187 = arith.constant 0 : i32
    %dma_wait3A_188 = arith.constant 0 : i32
    %dma_wait3A_189 = tpu.memref_slice %arg4[%dma_wait3A_171, %dma_wait3A_186, %dma_wait3A_187, %dma_wait3A_188] : memref<2x4x1x8192xf32, #tpu.memory_space<vmem>> -> memref<1x4x1x8192xf32, #tpu.memory_space<vmem>>
    %dma_wait3A_190 = tpu.memref_squeeze %dma_wait3A_189 : memref<1x4x1x8192xf32, #tpu.memory_space<vmem>> -> memref<4x1x8192xf32, #tpu.memory_space<vmem>>
    tpu.wait_dma2 semaphore(%dma_wait3A_182 : memref<!tpu.dma_semaphore, #tpu.memory_space<semaphore_mem>>) src(%dma_wait3A_190 : memref<4x1x8192xf32, #tpu.memory_space<vmem>>) dst(%dma_wait3A_185 : memref<4x1x8192xf32, #tpu.memory_space<hbm>>)
    %add3A_191 = arith.constant 12 : i32
    %add3A_192 = arith.addi %mul3A_2, %add3A_191 : i32
    %dma_start3A_193 = arith.constant 1 : i32
    %dma_start3A_194 = arith.constant 1 : i32
    %dma_start3A_195 = arith.constant 0 : i32
    %dma_start3A_196 = arith.constant 0 : i32
    %dma_start3A_197 = arith.constant 0 : i32
    %dma_start3A_198 = tpu.memref_slice %arg4[%dma_start3A_193, %dma_start3A_195, %dma_start3A_196, %dma_start3A_197] : memref<2x4x1x8192xf32, #tpu.memory_space<vmem>> -> memref<1x4x1x8192xf32, #tpu.memory_space<vmem>>
    %dma_start3A_199 = tpu.memref_squeeze %dma_start3A_198 : memref<1x4x1x8192xf32, #tpu.memory_space<vmem>> -> memref<4x1x8192xf32, #tpu.memory_space<vmem>>
    %dma_start3A_200 = arith.constant 0 : i32
    %dma_start3A_201 = arith.constant 0 : i32
    %dma_start3A_202 = tpu.memref_slice %arg2[%add3A_192, %dma_start3A_200, %dma_start3A_201] : memref<512x8x8192xf32, #tpu.memory_space<hbm>> -> memref<4x1x8192xf32, #tpu.memory_space<hbm>>
    %dma_start3A_203 = tpu.memref_slice %arg5[%dma_start3A_194] : memref<2x!tpu.dma_semaphore, #tpu.memory_space<semaphore_mem>> -> memref<1x!tpu.dma_semaphore, #tpu.memory_space<semaphore_mem>>
    %dma_start3A_204 = tpu.memref_squeeze %dma_start3A_203 : memref<1x!tpu.dma_semaphore, #tpu.memory_space<semaphore_mem>> -> memref<!tpu.dma_semaphore, #tpu.memory_space<semaphore_mem>>
    %dma_start3A_205 = arith.constant 0 : i32
    %dma_start3A_206 = arith.constant 0 : i32
    %dma_start3A_207 = arith.constant 0 : i32
    %dma_start3A_208 = tpu.memref_slice %arg4[%dma_start3A_193, %dma_start3A_205, %dma_start3A_206, %dma_start3A_207] : memref<2x4x1x8192xf32, #tpu.memory_space<vmem>> -> memref<1x4x1x8192xf32, #tpu.memory_space<vmem>>
    %dma_start3A_209 = tpu.memref_squeeze %dma_start3A_208 : memref<1x4x1x8192xf32, #tpu.memory_space<vmem>> -> memref<4x1x8192xf32, #tpu.memory_space<vmem>>
    %dma_start3A_210 = arith.constant 0 : i32
    %dma_start3A_211 = arith.constant 0 : i32
    %dma_start3A_212 = tpu.memref_slice %arg2[%add3A_192, %dma_start3A_210, %dma_start3A_211] : memref<512x8x8192xf32, #tpu.memory_space<hbm>> -> memref<4x1x8192xf32, #tpu.memory_space<hbm>>
    tpu.enqueue_dma source(%dma_start3A_212 : memref<4x1x8192xf32, #tpu.memory_space<hbm>>) target(%dma_start3A_209 : memref<4x1x8192xf32, #tpu.memory_space<vmem>>) target_semaphore(%dma_start3A_204 : memref<!tpu.dma_semaphore, #tpu.memory_space<semaphore_mem>>)
    %dma_wait3A_213 = arith.constant 0 : i32
    %dma_wait3A_214 = arith.constant 0 : i32
    %dma_wait3A_215 = arith.constant 0 : i32
    %dma_wait3A_216 = arith.constant 0 : i32
    %dma_wait3A_217 = arith.constant 0 : i32
    %dma_wait3A_218 = tpu.memref_slice %arg4[%dma_wait3A_213, %dma_wait3A_215, %dma_wait3A_216, %dma_wait3A_217] : memref<2x4x1x8192xf32, #tpu.memory_space<vmem>> -> memref<1x4x1x8192xf32, #tpu.memory_space<vmem>>
    %dma_wait3A_219 = tpu.memref_squeeze %dma_wait3A_218 : memref<1x4x1x8192xf32, #tpu.memory_space<vmem>> -> memref<4x1x8192xf32, #tpu.memory_space<vmem>>
    %dma_wait3A_220 = arith.constant 0 : i32
    %dma_wait3A_221 = arith.constant 0 : i32
    %dma_wait3A_222 = tpu.memref_slice %arg2[%add3A_108, %dma_wait3A_220, %dma_wait3A_221] : memref<512x8x8192xf32, #tpu.memory_space<hbm>> -> memref<4x1x8192xf32, #tpu.memory_space<hbm>>
    %dma_wait3A_223 = tpu.memref_slice %arg5[%dma_wait3A_214] : memref<2x!tpu.dma_semaphore, #tpu.memory_space<semaphore_mem>> -> memref<1x!tpu.dma_semaphore, #tpu.memory_space<semaphore_mem>>
    %dma_wait3A_224 = tpu.memref_squeeze %dma_wait3A_223 : memref<1x!tpu.dma_semaphore, #tpu.memory_space<semaphore_mem>> -> memref<!tpu.dma_semaphore, #tpu.memory_space<semaphore_mem>>
    %dma_wait3A_225 = arith.constant 0 : i32
    %dma_wait3A_226 = arith.constant 0 : i32
    %dma_wait3A_227 = arith.constant 0 : i32
    %dma_wait3A_228 = tpu.memref_slice %arg4[%dma_wait3A_213, %dma_wait3A_225, %dma_wait3A_226, %dma_wait3A_227] : memref<2x4x1x8192xf32, #tpu.memory_space<vmem>> -> memref<1x4x1x8192xf32, #tpu.memory_space<vmem>>
    %dma_wait3A_229 = tpu.memref_squeeze %dma_wait3A_228 : memref<1x4x1x8192xf32, #tpu.memory_space<vmem>> -> memref<4x1x8192xf32, #tpu.memory_space<vmem>>
    %dma_wait3A_230 = arith.constant 0 : i32
    %dma_wait3A_231 = arith.constant 0 : i32
    %dma_wait3A_232 = tpu.memref_slice %arg2[%add3A_108, %dma_wait3A_230, %dma_wait3A_231] : memref<512x8x8192xf32, #tpu.memory_space<hbm>> -> memref<4x1x8192xf32, #tpu.memory_space<hbm>>
    tpu.wait_dma2 semaphore(%dma_wait3A_224 : memref<!tpu.dma_semaphore, #tpu.memory_space<semaphore_mem>>) src(%dma_wait3A_232 : memref<4x1x8192xf32, #tpu.memory_space<hbm>>) dst(%dma_wait3A_229 : memref<4x1x8192xf32, #tpu.memory_space<vmem>>)
    %add3A_233 = arith.constant 8 : i32
    %add3A_234 = arith.addi %mul3A_2, %add3A_233 : i32
    %dma_start3A_235 = arith.constant 0 : i32
    %dma_start3A_236 = arith.constant 0 : i32
    %dma_start3A_237 = arith.constant 0 : i32
    %dma_start3A_238 = arith.constant 0 : i32
    %dma_start3A_239 = arith.constant 0 : i32
    %dma_start3A_240 = tpu.memref_slice %arg4[%dma_start3A_235, %dma_start3A_237, %dma_start3A_238, %dma_start3A_239] : memref<2x4x1x8192xf32, #tpu.memory_space<vmem>> -> memref<1x4x1x8192xf32, #tpu.memory_space<vmem>>
    %dma_start3A_241 = tpu.memref_squeeze %dma_start3A_240 : memref<1x4x1x8192xf32, #tpu.memory_space<vmem>> -> memref<4x1x8192xf32, #tpu.memory_space<vmem>>
    %dma_start3A_242 = arith.constant 0 : i32
    %dma_start3A_243 = arith.constant 0 : i32
    %dma_start3A_244 = tpu.memref_slice %arg3[%add3A_234, %dma_start3A_242, %dma_start3A_243] : memref<512x1x8192xf32, #tpu.memory_space<hbm>> -> memref<4x1x8192xf32, #tpu.memory_space<hbm>>
    %dma_start3A_245 = tpu.memref_slice %arg6[%dma_start3A_236] : memref<2x!tpu.dma_semaphore, #tpu.memory_space<semaphore_mem>> -> memref<1x!tpu.dma_semaphore, #tpu.memory_space<semaphore_mem>>
    %dma_start3A_246 = tpu.memref_squeeze %dma_start3A_245 : memref<1x!tpu.dma_semaphore, #tpu.memory_space<semaphore_mem>> -> memref<!tpu.dma_semaphore, #tpu.memory_space<semaphore_mem>>
    %dma_start3A_247 = arith.constant 0 : i32
    %dma_start3A_248 = arith.constant 0 : i32
    %dma_start3A_249 = tpu.memref_slice %arg3[%add3A_234, %dma_start3A_247, %dma_start3A_248] : memref<512x1x8192xf32, #tpu.memory_space<hbm>> -> memref<4x1x8192xf32, #tpu.memory_space<hbm>>
    %dma_start3A_250 = arith.constant 0 : i32
    %dma_start3A_251 = arith.constant 0 : i32
    %dma_start3A_252 = arith.constant 0 : i32
    %dma_start3A_253 = tpu.memref_slice %arg4[%dma_start3A_235, %dma_start3A_250, %dma_start3A_251, %dma_start3A_252] : memref<2x4x1x8192xf32, #tpu.memory_space<vmem>> -> memref<1x4x1x8192xf32, #tpu.memory_space<vmem>>
    %dma_start3A_254 = tpu.memref_squeeze %dma_start3A_253 : memref<1x4x1x8192xf32, #tpu.memory_space<vmem>> -> memref<4x1x8192xf32, #tpu.memory_space<vmem>>
    tpu.enqueue_dma source(%dma_start3A_254 : memref<4x1x8192xf32, #tpu.memory_space<vmem>>) target(%dma_start3A_249 : memref<4x1x8192xf32, #tpu.memory_space<hbm>>) target_semaphore(%dma_start3A_246 : memref<!tpu.dma_semaphore, #tpu.memory_space<semaphore_mem>>)
    %dma_wait3A_255 = arith.constant 1 : i32
    %dma_wait3A_256 = arith.constant 1 : i32
    %dma_wait3A_257 = arith.constant 0 : i32
    %dma_wait3A_258 = arith.constant 0 : i32
    %dma_wait3A_259 = arith.constant 0 : i32
    %dma_wait3A_260 = tpu.memref_slice %arg4[%dma_wait3A_255, %dma_wait3A_257, %dma_wait3A_258, %dma_wait3A_259] : memref<2x4x1x8192xf32, #tpu.memory_space<vmem>> -> memref<1x4x1x8192xf32, #tpu.memory_space<vmem>>
    %dma_wait3A_261 = tpu.memref_squeeze %dma_wait3A_260 : memref<1x4x1x8192xf32, #tpu.memory_space<vmem>> -> memref<4x1x8192xf32, #tpu.memory_space<vmem>>
    %dma_wait3A_262 = arith.constant 0 : i32
    %dma_wait3A_263 = arith.constant 0 : i32
    %dma_wait3A_264 = tpu.memref_slice %arg2[%add3A_192, %dma_wait3A_262, %dma_wait3A_263] : memref<512x8x8192xf32, #tpu.memory_space<hbm>> -> memref<4x1x8192xf32, #tpu.memory_space<hbm>>
    %dma_wait3A_265 = tpu.memref_slice %arg5[%dma_wait3A_256] : memref<2x!tpu.dma_semaphore, #tpu.memory_space<semaphore_mem>> -> memref<1x!tpu.dma_semaphore, #tpu.memory_space<semaphore_mem>>
    %dma_wait3A_266 = tpu.memref_squeeze %dma_wait3A_265 : memref<1x!tpu.dma_semaphore, #tpu.memory_space<semaphore_mem>> -> memref<!tpu.dma_semaphore, #tpu.memory_space<semaphore_mem>>
    %dma_wait3A_267 = arith.constant 0 : i32
    %dma_wait3A_268 = arith.constant 0 : i32
    %dma_wait3A_269 = arith.constant 0 : i32
    %dma_wait3A_270 = tpu.memref_slice %arg4[%dma_wait3A_255, %dma_wait3A_267, %dma_wait3A_268, %dma_wait3A_269] : memref<2x4x1x8192xf32, #tpu.memory_space<vmem>> -> memref<1x4x1x8192xf32, #tpu.memory_space<vmem>>
    %dma_wait3A_271 = tpu.memref_squeeze %dma_wait3A_270 : memref<1x4x1x8192xf32, #tpu.memory_space<vmem>> -> memref<4x1x8192xf32, #tpu.memory_space<vmem>>
    %dma_wait3A_272 = arith.constant 0 : i32
    %dma_wait3A_273 = arith.constant 0 : i32
    %dma_wait3A_274 = tpu.memref_slice %arg2[%add3A_192, %dma_wait3A_272, %dma_wait3A_273] : memref<512x8x8192xf32, #tpu.memory_space<hbm>> -> memref<4x1x8192xf32, #tpu.memory_space<hbm>>
    tpu.wait_dma2 semaphore(%dma_wait3A_266 : memref<!tpu.dma_semaphore, #tpu.memory_space<semaphore_mem>>) src(%dma_wait3A_274 : memref<4x1x8192xf32, #tpu.memory_space<hbm>>) dst(%dma_wait3A_271 : memref<4x1x8192xf32, #tpu.memory_space<vmem>>)
    %add3A_275 = arith.constant 12 : i32
    %add3A_276 = arith.addi %mul3A_2, %add3A_275 : i32
    %dma_start3A_277 = arith.constant 1 : i32
    %dma_start3A_278 = arith.constant 1 : i32
    %dma_start3A_279 = arith.constant 0 : i32
    %dma_start3A_280 = arith.constant 0 : i32
    %dma_start3A_281 = arith.constant 0 : i32
    %dma_start3A_282 = tpu.memref_slice %arg4[%dma_start3A_277, %dma_start3A_279, %dma_start3A_280, %dma_start3A_281] : memref<2x4x1x8192xf32, #tpu.memory_space<vmem>> -> memref<1x4x1x8192xf32, #tpu.memory_space<vmem>>
    %dma_start3A_283 = tpu.memref_squeeze %dma_start3A_282 : memref<1x4x1x8192xf32, #tpu.memory_space<vmem>> -> memref<4x1x8192xf32, #tpu.memory_space<vmem>>
    %dma_start3A_284 = arith.constant 0 : i32
    %dma_start3A_285 = arith.constant 0 : i32
    %dma_start3A_286 = tpu.memref_slice %arg3[%add3A_276, %dma_start3A_284, %dma_start3A_285] : memref<512x1x8192xf32, #tpu.memory_space<hbm>> -> memref<4x1x8192xf32, #tpu.memory_space<hbm>>
    %dma_start3A_287 = tpu.memref_slice %arg6[%dma_start3A_278] : memref<2x!tpu.dma_semaphore, #tpu.memory_space<semaphore_mem>> -> memref<1x!tpu.dma_semaphore, #tpu.memory_space<semaphore_mem>>
    %dma_start3A_288 = tpu.memref_squeeze %dma_start3A_287 : memref<1x!tpu.dma_semaphore, #tpu.memory_space<semaphore_mem>> -> memref<!tpu.dma_semaphore, #tpu.memory_space<semaphore_mem>>
    %dma_start3A_289 = arith.constant 0 : i32
    %dma_start3A_290 = arith.constant 0 : i32
    %dma_start3A_291 = tpu.memref_slice %arg3[%add3A_276, %dma_start3A_289, %dma_start3A_290] : memref<512x1x8192xf32, #tpu.memory_space<hbm>> -> memref<4x1x8192xf32, #tpu.memory_space<hbm>>
    %dma_start3A_292 = arith.constant 0 : i32
    %dma_start3A_293 = arith.constant 0 : i32
    %dma_start3A_294 = arith.constant 0 : i32
    %dma_start3A_295 = tpu.memref_slice %arg4[%dma_start3A_277, %dma_start3A_292, %dma_start3A_293, %dma_start3A_294] : memref<2x4x1x8192xf32, #tpu.memory_space<vmem>> -> memref<1x4x1x8192xf32, #tpu.memory_space<vmem>>
    %dma_start3A_296 = tpu.memref_squeeze %dma_start3A_295 : memref<1x4x1x8192xf32, #tpu.memory_space<vmem>> -> memref<4x1x8192xf32, #tpu.memory_space<vmem>>
    tpu.enqueue_dma source(%dma_start3A_296 : memref<4x1x8192xf32, #tpu.memory_space<vmem>>) target(%dma_start3A_291 : memref<4x1x8192xf32, #tpu.memory_space<hbm>>) target_semaphore(%dma_start3A_288 : memref<!tpu.dma_semaphore, #tpu.memory_space<semaphore_mem>>)
    %dma_wait3A_297 = arith.constant 0 : i32
    %dma_wait3A_298 = arith.constant 0 : i32
    %dma_wait3A_299 = arith.constant 0 : i32
    %dma_wait3A_300 = arith.constant 0 : i32
    %dma_wait3A_301 = arith.constant 0 : i32
    %dma_wait3A_302 = tpu.memref_slice %arg4[%dma_wait3A_297, %dma_wait3A_299, %dma_wait3A_300, %dma_wait3A_301] : memref<2x4x1x8192xf32, #tpu.memory_space<vmem>> -> memref<1x4x1x8192xf32, #tpu.memory_space<vmem>>
    %dma_wait3A_303 = tpu.memref_squeeze %dma_wait3A_302 : memref<1x4x1x8192xf32, #tpu.memory_space<vmem>> -> memref<4x1x8192xf32, #tpu.memory_space<vmem>>
    %dma_wait3A_304 = arith.constant 0 : i32
    %dma_wait3A_305 = arith.constant 0 : i32
    %dma_wait3A_306 = tpu.memref_slice %arg3[%add3A_234, %dma_wait3A_304, %dma_wait3A_305] : memref<512x1x8192xf32, #tpu.memory_space<hbm>> -> memref<4x1x8192xf32, #tpu.memory_space<hbm>>
    %dma_wait3A_307 = tpu.memref_slice %arg6[%dma_wait3A_298] : memref<2x!tpu.dma_semaphore, #tpu.memory_space<semaphore_mem>> -> memref<1x!tpu.dma_semaphore, #tpu.memory_space<semaphore_mem>>
    %dma_wait3A_308 = tpu.memref_squeeze %dma_wait3A_307 : memref<1x!tpu.dma_semaphore, #tpu.memory_space<semaphore_mem>> -> memref<!tpu.dma_semaphore, #tpu.memory_space<semaphore_mem>>
    %dma_wait3A_309 = arith.constant 0 : i32
    %dma_wait3A_310 = arith.constant 0 : i32
    %dma_wait3A_311 = tpu.memref_slice %arg3[%add3A_234, %dma_wait3A_309, %dma_wait3A_310] : memref<512x1x8192xf32, #tpu.memory_space<hbm>> -> memref<4x1x8192xf32, #tpu.memory_space<hbm>>
    %dma_wait3A_312 = arith.constant 0 : i32
    %dma_wait3A_313 = arith.constant 0 : i32
    %dma_wait3A_314 = arith.constant 0 : i32
    %dma_wait3A_315 = tpu.memref_slice %arg4[%dma_wait3A_297, %dma_wait3A_312, %dma_wait3A_313, %dma_wait3A_314] : memref<2x4x1x8192xf32, #tpu.memory_space<vmem>> -> memref<1x4x1x8192xf32, #tpu.memory_space<vmem>>
    %dma_wait3A_316 = tpu.memref_squeeze %dma_wait3A_315 : memref<1x4x1x8192xf32, #tpu.memory_space<vmem>> -> memref<4x1x8192xf32, #tpu.memory_space<vmem>>
    tpu.wait_dma2 semaphore(%dma_wait3A_308 : memref<!tpu.dma_semaphore, #tpu.memory_space<semaphore_mem>>) src(%dma_wait3A_316 : memref<4x1x8192xf32, #tpu.memory_space<vmem>>) dst(%dma_wait3A_311 : memref<4x1x8192xf32, #tpu.memory_space<hbm>>)
    %dma_wait3A_317 = arith.constant 1 : i32
    %dma_wait3A_318 = arith.constant 1 : i32
    %dma_wait3A_319 = arith.constant 0 : i32
    %dma_wait3A_320 = arith.constant 0 : i32
    %dma_wait3A_321 = arith.constant 0 : i32
    %dma_wait3A_322 = tpu.memref_slice %arg4[%dma_wait3A_317, %dma_wait3A_319, %dma_wait3A_320, %dma_wait3A_321] : memref<2x4x1x8192xf32, #tpu.memory_space<vmem>> -> memref<1x4x1x8192xf32, #tpu.memory_space<vmem>>
    %dma_wait3A_323 = tpu.memref_squeeze %dma_wait3A_322 : memref<1x4x1x8192xf32, #tpu.memory_space<vmem>> -> memref<4x1x8192xf32, #tpu.memory_space<vmem>>
    %dma_wait3A_324 = arith.constant 0 : i32
    %dma_wait3A_325 = arith.constant 0 : i32
    %dma_wait3A_326 = tpu.memref_slice %arg3[%add3A_276, %dma_wait3A_324, %dma_wait3A_325] : memref<512x1x8192xf32, #tpu.memory_space<hbm>> -> memref<4x1x8192xf32, #tpu.memory_space<hbm>>
    %dma_wait3A_327 = tpu.memref_slice %arg6[%dma_wait3A_318] : memref<2x!tpu.dma_semaphore, #tpu.memory_space<semaphore_mem>> -> memref<1x!tpu.dma_semaphore, #tpu.memory_space<semaphore_mem>>
    %dma_wait3A_328 = tpu.memref_squeeze %dma_wait3A_327 : memref<1x!tpu.dma_semaphore, #tpu.memory_space<semaphore_mem>> -> memref<!tpu.dma_semaphore, #tpu.memory_space<semaphore_mem>>
    %dma_wait3A_329 = arith.constant 0 : i32
    %dma_wait3A_330 = arith.constant 0 : i32
    %dma_wait3A_331 = tpu.memref_slice %arg3[%add3A_276, %dma_wait3A_329, %dma_wait3A_330] : memref<512x1x8192xf32, #tpu.memory_space<hbm>> -> memref<4x1x8192xf32, #tpu.memory_space<hbm>>
    %dma_wait3A_332 = arith.constant 0 : i32
    %dma_wait3A_333 = arith.constant 0 : i32
    %dma_wait3A_334 = arith.constant 0 : i32
    %dma_wait3A_335 = tpu.memref_slice %arg4[%dma_wait3A_317, %dma_wait3A_332, %dma_wait3A_333, %dma_wait3A_334] : memref<2x4x1x8192xf32, #tpu.memory_space<vmem>> -> memref<1x4x1x8192xf32, #tpu.memory_space<vmem>>
    %dma_wait3A_336 = tpu.memref_squeeze %dma_wait3A_335 : memref<1x4x1x8192xf32, #tpu.memory_space<vmem>> -> memref<4x1x8192xf32, #tpu.memory_space<vmem>>
    tpu.wait_dma2 semaphore(%dma_wait3A_328 : memref<!tpu.dma_semaphore, #tpu.memory_space<semaphore_mem>>) src(%dma_wait3A_336 : memref<4x1x8192xf32, #tpu.memory_space<vmem>>) dst(%dma_wait3A_331 : memref<4x1x8192xf32, #tpu.memory_space<hbm>>)
    return
  }
}

</mosaic_0001>

<sc_bundles>
// kernel: kernel.3.cloned.1.call-start
scs
__scs_entry_jumppad:
0x0: {  	(pc) =	sbr.rel $0x88, $3  }
0x1: {  	(tag) =	ssettag $0x0;
	lr =	simm.s32 $0x1  }
0x2: {  	[smem:$0x3FA0] =	sst lr;
	_ =	strace $0xD0000000  }
0x3: {  	_ = 	snop  }
0x4: {  	_ = 	snop  }
0x5: {  	_ = 	snop  }
0x6: {  	_ = 	snop  }
0x7: {  	_ = 	snop  }
__scs_overlays_trampoline_lowered:
0x8: {  	[smem:$0x3FAF] =	sst s0  }
0x9: {  	[smem:$0x3FB0] =	sst s1  }
0xa: {  	[smem:$0x3FB1] =	sst s2  }
0xb: {  	[smem:$0x3FB2] =	sst s3  }
0xc: {  	[smem:$0x3FB3] =	sst s4  }
0xd: {  	[smem:$0x3FB4] =	sst s5  }
0xe: {  	[smem:$0x3FB5] =	sst s6  }
0xf: {  	[smem:$0x3FB6] =	sst s7  }
0x10: {  	[smem:$0x3FB7] =	sst s8  }
0x11: {  	[smem:$0x3FB8] =	sst s9;
	s0 =	simm.s32 @!p0 $0x0  }
0x12: {  	s1 =	sld [smem:$0x3F9E];
	s0 =	simm.s32 @p0 $0x1  }
0x13: {  	[smem:$0x3FB9] =	sst s0;
	s0 =	simm.s32 @!p1 $0x0  }
0x14: {  	s2 =	sld [smem:$0x3F9D];
	s0 =	simm.s32 @p1 $0x1  }
0x15: {  	[smem:$0x3FBA] =	sst s0;
	s0 =	simm.s32 @!p2 $0x0  }
0x16: {  	s3 =	sld [smem:$0x3FDB];
	s0 =	simm.s32 @p2 $0x1  }
0x17: {  	s4 =	simm.s32 $0x1BF5;
	[smem:$0x3FBC] =	sst s0  }
0x18: {  	s0 =	sld [smem:$0x3F9F];
	_ =	swait.ge [sflag:s4], $0x0  }
0x19: {  	s7 =	sld [smem:$0x3FA0]  }
0x1a: {  	s8 =	sadd.s32 $0xFFFFE003, lr  }
0x1b: {  	s9 =	sadd.s32 $0xFFFFFEF7, lr;
	s5 =	simm.s32 $0xFFFFFFFF;
	p2 =	slt.u32 s8, $0xFFFFF086  }
0x1c: {  	p1 =	slt.u32 s9, $0xF7A;
	s5 =	simm.s32 @!p2 $0x0  }
0x1d: {  	s5 =	simm.s32 @p1 $0x1;
	p0 =	seq.s32 s7, s2  }
0x1e: {  	s7 =	smul.u32 @!p0 $0xF7A, s2;
	p2 =	seq.s32 @!p0 s5, $0x0  }
0x1f: {  	s9 =	smul.u32 $0xF7A, s1;
	s8 =	simm.s32 @!p0 $0x1BF5;
	p2 =	por !p2, p0  }
0x20: {  	[sflag:s8] =	ssyncset.s32 @!p0 $0xFFFFF086;
	s6 =	sadd.s32 @!p0 s3, s7;
	s7 =	simm.s32 @!p0 $0x108  }
0x21: {  	s3 =	sadd.s32 s3, s9;
	s6 =	sadd.s32 @!p0 $0x88, s6;
	s7 =	simm.s32 @p2 $0x1082  }
0x22: {  	[simem:s7], [sflag:s8] =	dma.local @!p0 [hbm:s6], $0xF7A  }
0x23: {  	s9 =	sor.u32 $0xD0000000, s2;
	s6 =	simm.s32 $0x108;
	_ =	swait.ge @!p0 [sflag:s8], $0x0  }
0x24: {  	s3 =	sadd.s32 $0x88, s3;
	s6 =	simm.s32 @!p1 $0x1082;
	[sflag:s4] =	ssyncset.s32 $0xFFFFF086  }
0x25: {  	[simem:s6], [sflag:s4] =	dma.local [hbm:s3], $0xF7A  }
0x26: {  	[smem:$0x3FA0] =	sst s1;
	(tag) =	ssettag s2;
	_ =	strace s9  }
0x27: {  	s1 =	sld [smem:$0x3FB0]  }
0x28: {  	s2 =	sld [smem:$0x3FB1]  }
0x29: {  	s4 =	sld [smem:$0x3FB3]  }
0x2a: {  	p0 =	seq.s32 s5, $0x0;
	s5 =	sld [smem:$0x3FB4]  }
0x2b: {  	s6 =	sld [smem:$0x3FB5]  }
0x2c: {  	s7 =	sld [smem:$0x3FB6]  }
0x2d: {  	s3 =	simm.s32 $0x108;
	s8 =	sld [smem:$0x3FB7]  }
0x2e: {  	s3 =	simm.s32 @!p0 $0x1082;
	s9 =	sld [smem:$0x3FB8]  }
0x2f: {  	lr =	sadd.s32 s0, s3;
	s0 =	sld [smem:$0x3FAF]  }
0x30: {  	s3 =	sld [smem:$0x3FB2]  }
0x31: {  	[smem:$0x3FBB] =	sst s10  }
0x32: {  	s10 =	sld [smem:$0x3FB9];
	_ =	sdelay $0x3  }
0x33: {  	p0 =	seq.s32 s10, $0x1;
	s10 =	sld [smem:$0x3FBB];
	_ =	sdelay $0x3  }
0x34: {  	[smem:$0x3FBB] =	sst s10  }
0x35: {  	s10 =	sld [smem:$0x3FBA];
	_ =	sdelay $0x3  }
0x36: {  	p1 =	seq.s32 s10, $0x1;
	s10 =	sld [smem:$0x3FBB];
	_ =	sdelay $0x3  }
0x37: {  	[smem:$0x3FBB] =	sst s10  }
0x38: {  	s10 =	sld [smem:$0x3FBC]  }
0x39: {  	_ = 	snop;
	(pc) =	sbr.ind lr, $3  }
0x3a: {  	_ = 	snop  }
0x3b: {  	_ = 	snop  }
0x3c: {  	p2 =	seq.s32 s10, $0x1;
	s10 =	sld [smem:$0x3FBB]  }
0x3d: {  	_ =	shalt  }
0x3e: {  	_ =	shalt  }
0x3f: {  	_ =	shalt  }
0x40: {  	_ =	shalt  }
0x41: {  	_ =	shalt  }
0x42: {  	_ =	shalt  }
0x43: {  	_ =	shalt  }
0x44: {  	_ =	shalt  }
0x45: {  	_ =	shalt  }
0x46: {  	_ =	shalt  }
0x47: {  	_ =	shalt  }
0x48: {  	_ =	shalt  }
0x49: {  	_ =	shalt  }
0x4a: {  	_ =	shalt  }
0x4b: {  	_ =	shalt  }
0x4c: {  	_ =	shalt  }
0x4d: {  	_ =	shalt  }
0x4e: {  	_ =	shalt  }
0x4f: {  	_ =	shalt  }
0x50: {  	_ =	shalt  }
0x51: {  	_ =	shalt  }
0x52: {  	_ =	shalt  }
0x53: {  	_ =	shalt  }
0x54: {  	_ =	shalt  }
0x55: {  	_ =	shalt  }
0x56: {  	_ =	shalt  }
0x57: {  	_ =	shalt  }
0x58: {  	_ =	shalt  }
0x59: {  	_ =	shalt  }
0x5a: {  	_ =	shalt  }
0x5b: {  	_ =	shalt  }
0x5c: {  	_ =	shalt  }
0x5d: {  	_ =	shalt  }
0x5e: {  	_ =	shalt  }
0x5f: {  	_ =	shalt  }
0x60: {  	_ =	shalt  }
0x61: {  	_ =	shalt  }
0x62: {  	_ =	shalt  }
0x63: {  	_ =	shalt  }
0x64: {  	_ =	shalt  }
0x65: {  	_ =	shalt  }
0x66: {  	_ =	shalt  }
0x67: {  	_ =	shalt  }
0x68: {  	_ =	shalt  }
0x69: {  	_ =	shalt  }
0x6a: {  	_ =	shalt  }
0x6b: {  	_ =	shalt  }
0x6c: {  	_ =	shalt  }
0x6d: {  	_ =	shalt  }
0x6e: {  	_ =	shalt  }
0x6f: {  	_ =	shalt  }
0x70: {  	_ =	shalt  }
0x71: {  	_ =	shalt  }
0x72: {  	_ =	shalt  }
0x73: {  	_ =	shalt  }
0x74: {  	_ =	shalt  }
0x75: {  	_ =	shalt  }
0x76: {  	_ =	shalt  }
0x77: {  	_ =	shalt  }
0x78: {  	_ =	shalt  }
0x79: {  	_ =	shalt  }
0x7a: {  	_ =	shalt  }
0x7b: {  	_ =	shalt  }
0x7c: {  	_ =	shalt  }
0x7d: {  	_ =	shalt  }
0x7e: {  	_ =	shalt  }
0x7f: {  	_ =	shalt  }
0x80: {  	_ =	shalt  }
0x81: {  	_ =	shalt  }
0x82: {  	_ =	shalt  }
0x83: {  	_ =	shalt  }
0x84: {  	_ =	shalt  }
0x85: {  	_ =	shalt  }
0x86: {  	_ =	shalt  }
0x87: {  	_ =	shalt  }
.Lfunc_end0:
.L_simem_size_0:
called_computation_lowered:
.L_overlay_start_0:
0x88: {  	s2 =	sld [smem:$0x3FD9]  }
0x89: {  	s3 =	sld [smem:$0x3FFE];
	_ =	sdelay $0x1  }
0x8a: {  	s1 =	srdreg.scid  }
0x8b: {  	s0 =	sand.u32 $0x1, s1  }
0x8c: {  	s17 =	sshll.u32 s0, $0xA;
	s2 =	sadd.s32 s3, s2  }
0x8d: {  	s2 =	sadd.s32 s2, s17  }
0x8e: {  	[smem:$0x3FC7] =	sst s2  }
0x8f: {  	_ = 	snop  }
0x90: {  	s2 =	sld [smem:$0x3FC9];
	(tm) =	ssettm $0x1  }
0x91: {  	s18 =	sld [smem:$0x3FFB];
	_ =	sdelay $0x3  }
0x92: {  	_ =	strace s18  }
0x93: {  	s3 =	sld [smem:$0x3FFC];
	_ =	sdelay $0x3  }
0x94: {  	_ =	strace s3  }
0x95: {  	s3 =	sld [smem:$0x3FFD];
	_ =	sdelay $0x3  }
0x96: {  	_ =	strace s3  }
0x97: {  	_ =	strace $0x8FFFFFFF  }
0x98: {  	s19 =	sld [smem:$0x3FDB];
	_ =	sdelay $0x1  }
0x99: {  	s4 =	simm.s32 $_scs_section_size  }
0x9a: {  	s5 =	simm.s32 $_size__tile_overlayer_lowered;
	s6 =	simm.s32 $_tile_overlayer_lowered  }
0x9b: {  	s22 =	simm.s32 $0x1BFF;
	s21 =	sshll.u32 s6, $0x1;
	s3 =	sadd.s32 s4, s19  }
0x9c: {  	s7 =	simm.s32 $0x0;
	s20 =	sshll.u32 s5, $0x1;
	s5 =	sadd.s32 s21, s3  }
0x9d: {  	[timem:s7], [sflag:s22] =	dma.local [hbm:s5], s20  }
0x9e: {  	_ =	swait.ge [sflag:s22], s20  }
0x9f: {  	s4 =	ssub.s32 $0x0, s20;
	[sflag:s22] =	ssyncset.done $0x0  }
0xa0: {  	[sflag:s22] =	ssyncadd.s32 s4;
	_ =	sdelay $0x1  }
0xa1: {  	s23 =	simm.s32 $0x1B8B  }
0xa2: {  	_ =	swait.ge [sflag:s23], $0x1  }
0xa3: {  	[sflag:s23] =	ssyncset.done $0x0  }
0xa4: {  	s25 =	simm.s32 $0x1B8E;
	s24 =	sld [smem:$0x3FFE];
	[sflag:s23] =	ssyncadd.s32 $0xFFFFFFFF  }
0xa5: {  	s26 =	simm.s32 $execute0_lowered;
	[smem:$0x3FD2] =	sst s25  }
0xa6: {  	s5 =	sshll.u32 s26, $0x1;
	_ =	strace $0x80000046;
	[dreg:$0x1] =	wrdreg $0xFFFFFFFF  }
0xa7: {  	s28 =	simm.s32 $_size_execute0_lowered;
	s3 =	sadd.s32 s3, s5;
	[dreg:$0x0] =	wrdreg $0x0  }
0xa8: {  	s5 =	sshll.u32 s28, $0x1;
	[dreg:$0x2] =	wrdreg s3  }
0xa9: {  	[dreg:$0x3] =	wrdreg s5  }
0xaa: {  	[dreg:$0x4] =	wrdreg $0xC0  }
0xab: {  	_ =	task [dreg:s7], $0x5FFFF  }
0xac: {  	[dreg:$0x1] =	wrdreg $0xFFFFFFFF  }
0xad: {  	[dreg:$0x0] =	wrdreg $0x60  }
0xae: {  	[dreg:$0x2] =	wrdreg s2  }
0xaf: {  	[dreg:$0x3] =	wrdreg s24  }
0xb0: {  	[dreg:$0x4] =	wrdreg $0x9  }
0xb1: {  	_ =	task.clear_ibuf [dreg:s7], $0x5FFFF;
	_ =	strace $0x90000046  }
0xb2: {  	s29 =	simm.s32 $0x9;
	_ =	strace $0x80000048  }
0xb3: {  	_ =	swait.ge [sflag:s29], $0x1  }
0xb4: {  	[sflag:s29] =	ssyncadd.s32 $0xFFFFFFFF  }
0xb5: {  	_ =	strace $0x90000048  }
0xb6: {  	_ =	sfence  }
0xb7: {  	s30 =	sld [smem:$0x0];
	_ =	sdelay $0x2  }
0xb8: {  	s31 =	sshll.u32 s1, $0xD;
	s1 =	sshrl.u32 s1, $0x2  }
0xb9: {  	s3 =	sand.u32 $0x4000, s31;
	s1 =	sadd.s32 s1, s30  }
0xba: {  	s0 =	sor.u32 s3, s0;
	s1 =	sshll.u32 s1, $0x11  }
0xbb: {  	s0 =	sor.u32 s1, s0  }
0xbc: {  	s0 =	sadd.s32 $0x8F2B, s0  }
0xbd: {  	[sflag:s0] =	ssyncadd.remote.s32 $0x1  }
0xbe: {  	_ =	sfence.sel $0xFFFF  }
0xbf: {  	[dreg:$0x0] =	wrdreg $0xFFFFFFFF;
	(pc) =	sbr.abs _section_cstart, $3  }
0xc0: {  	[dreg:$0x1] =	wrdreg $0xFFFFFFFF  }
0xc1: {  	_ =	task.clear_ibuf [dreg:s7], $0x2FFFF;
	_ =	strace $0x9FFFFFFF  }
0xc2: {  	(tm) =	ssettm $0x7FFFFFFF  }
0xc3: {  	_ =	shalt  }
tec
execute0_lowered:
.L_overlay_start_1:
0x0: {  	(tag) =	ssettag $0x1  }
0x1: {  	s15 =	rddreg [dreg:$0x0]  }
0x2: {  	s1 =	srdreg.scid;
	s0 =	stileid.u32  }
0x3: {  	s9 =	rddreg [dreg:$0x1];
	s17 =	sand.u32 $0x1, s1;
	s3 =	sshll.u32 s0, $0x1  }
0x4: {  	s2 =	simm.s32 $0x0;
	s4 =	simm.s32 $0x80;
	s10 =	sor.u32 s17, s3  }
0x5: {  	s5 =	simm.s32 $0x400;
	s1 =	rddreg [dreg:$0x2];
	s16 =	sshll.u32 s10, $0x4  }
0x6: {  	[smem:$0x7FF] =	sst s2;
	s3 =	sshll.u32 s10, $0x11;
	s13 =	sor.u32 $0x4, s16  }
0x7: {  	_ =	strace $0x80000047;
	s3 =	sadd.s32 s15, s3;
	s6 =	sshll.u32 s13, $0xD  }
0x8: {  	[tilespmem:s2], [sflag:$0x1] =	stream.strided.gather [hbm4b:s3+s4], $0x8000, s5, s4, $0x38;
	[tilespmem:$0x10000] =	vst v63  }
0x9: {  	s7 =	simm.s32 $0x8000;
	s8 =	simm.s32 $0x1;
	s6 =	sadd.s32 s15, s6  }
0xa: {  	[tilespmem:s7], [sflag:$0x2] =	stream.strided.gather [hbm4b:s6+s4], $0x8000, s5, s4, $0x38;
	[tilespmem:$0x10000] =	vst v63  }
0xb: {  	_ =	swait.ge [sflag:s8], $0x8000  }
0xc: {  	s18 =	sadd.s32 $0x400, s9;
	s26 =	sshll.u32 s10, $0xE;
	[sflag:s8] =	ssyncset.done $0x0  }
0xd: {  	s10 =	simm.s32 $0x3;
	s9 =	sadd.s32 s18, s26;
	[sflag:s8] =	ssyncadd.s32 $0xFFFF8000  }
0xe: {  	[hbm4b:s9+s2] =	stream.linear.scatter [tilespmem:s2], [sflag:$0x3], $0x8000, $0x38;
	[tilespmem:$0x10000] =	vst v63  }
0xf: {  	s19 =	sor.u32 $0x8, s16;
	_ =	swait.ge [sflag:s10], $0x8000  }
0x10: {  	s11 =	sshll.u32 s19, $0xD;
	[sflag:s10] =	ssyncset.done $0x0  }
0x11: {  	s12 =	simm.s32 $0x2;
	s11 =	sadd.s32 s15, s11;
	[sflag:s10] =	ssyncadd.s32 $0xFFFF8000  }
0x12: {  	[tilespmem:s2], [sflag:$0x1] =	stream.strided.gather [hbm4b:s11+s4], $0x8000, s5, s4, $0x38;
	[tilespmem:$0x10000] =	vst v63  }
0x13: {  	_ =	swait.ge [sflag:s12], $0x8000  }
0x14: {  	s13 =	sshll.u32 s13, $0xA;
	[sflag:s12] =	ssyncset.done $0x0  }
0x15: {  	s14 =	sadd.s32 s18, s13;
	s13 =	simm.s32 $0x4;
	[sflag:s12] =	ssyncadd.s32 $0xFFFF8000  }
0x16: {  	[hbm4b:s14+s2] =	stream.linear.scatter [tilespmem:s7], [sflag:$0x4], $0x8000, $0x38;
	[tilespmem:$0x10000] =	vst v63  }
0x17: {  	s20 =	sor.u32 $0xC, s16;
	_ =	swait.ge [sflag:s13], $0x8000  }
0x18: {  	s16 =	sshll.u32 s20, $0xD;
	[sflag:s13] =	ssyncset.done $0x0  }
0x19: {  	s15 =	sadd.s32 s15, s16;
	[sflag:s13] =	ssyncadd.s32 $0xFFFF8000  }
0x1a: {  	[tilespmem:s7], [sflag:$0x2] =	stream.strided.gather [hbm4b:s15+s4], $0x8000, s5, s4, $0x38;
	[tilespmem:$0x10000] =	vst v63  }
0x1b: {  	s30 =	ssub.s32 $0x2, s17;
	_ =	swait.ge [sflag:s8], $0x8000  }
0x1c: {  	s31 =	sshrl.u32 s30, $0x1;
	s28 =	sshll.u32 s19, $0xA;
	[sflag:s8] =	ssyncset.done $0x0  }
0x1d: {  	s29 =	sshll.u32 s20, $0xA;
	s16 =	sadd.s32 s18, s28;
	[sflag:s8] =	ssyncadd.s32 $0xFFFF8000  }
0x1e: {  	[hbm4b:s16+s2] =	stream.linear.scatter [tilespmem:s2], [sflag:$0x3], $0x8000, $0x38;
	[tilespmem:$0x10000] =	vst v63  }
0x1f: {  	s17 =	sadd.s32 s18, s29;
	s18 =	ssub.s32 s30, s31;
	_ =	swait.ge [sflag:s12], $0x8000  }
0x20: {  	s18 =	smax.u32 s18, $0x1;
	[sflag:s12] =	ssyncset.done $0x0  }
0x21: {  	p0 =	sne.s32 s18, $0x1;
	[sflag:s12] =	ssyncadd.s32 $0xFFFF8000  }
0x22: {  	[hbm4b:s17+s2] =	stream.linear.scatter [tilespmem:s7], [sflag:$0x4], $0x8000, $0x38;
	[tilespmem:$0x10000] =	vst v63  }
.Ltmp0:
0x23: {  	_ =	swait.ge [sflag:s10], $0x8000;
	(pc) =	sbr.rel @!p0 .LBB2_2-.Ltmp0, $4  }
0x24: {  	[sflag:s10] =	ssyncset.done $0x0  }
0x25: {  	[sflag:s10] =	ssyncadd.s32 $0xFFFF8000  }
0x26: {  	_ =	swait.ge [sflag:s13], $0x8000  }
0x27: {  	s18 =	sadd.s32 $0xFFFFFFFF, s18;
	[sflag:s13] =	ssyncset.done $0x0  }
.LBB2_1:
0x28: {  	p0 =	sne.s32 s18, $0x1;
	s18 =	sadd.s32 $0xFFFFFFFF, s18;
	[sflag:s13] =	ssyncadd.s32 $0xFFFF8000  }
0x29: {  	[tilespmem:s2], [sflag:$0x1] =	stream.strided.gather [hbm4b:s3+s4], $0x8000, s5, s4, $0x38;
	[tilespmem:$0x10000] =	vst v63  }
0x2a: {  	_ = 	snop  }
0x2b: {  	[tilespmem:s7], [sflag:$0x2] =	stream.strided.gather [hbm4b:s6+s4], $0x8000, s5, s4, $0x38;
	[tilespmem:$0x10000] =	vst v63  }
0x2c: {  	_ =	swait.ge [sflag:s8], $0x8000  }
0x2d: {  	[sflag:s8] =	ssyncset.done $0x0  }
0x2e: {  	[sflag:s8] =	ssyncadd.s32 $0xFFFF8000  }
0x2f: {  	[hbm4b:s9+s2] =	stream.linear.scatter [tilespmem:s2], [sflag:$0x3], $0x8000, $0x38;
	[tilespmem:$0x10000] =	vst v63  }
0x30: {  	_ =	swait.ge [sflag:s10], $0x8000  }
0x31: {  	[sflag:s10] =	ssyncset.done $0x0  }
0x32: {  	[sflag:s10] =	ssyncadd.s32 $0xFFFF8000  }
0x33: {  	[tilespmem:s2], [sflag:$0x1] =	stream.strided.gather [hbm4b:s11+s4], $0x8000, s5, s4, $0x38;
	[tilespmem:$0x10000] =	vst v63  }
0x34: {  	_ =	swait.ge [sflag:s12], $0x8000  }
0x35: {  	[sflag:s12] =	ssyncset.done $0x0  }
0x36: {  	[sflag:s12] =	ssyncadd.s32 $0xFFFF8000  }
0x37: {  	[hbm4b:s14+s2] =	stream.linear.scatter [tilespmem:s7], [sflag:$0x4], $0x8000, $0x38;
	[tilespmem:$0x10000] =	vst v63  }
0x38: {  	_ =	swait.ge [sflag:s13], $0x8000  }
0x39: {  	[sflag:s13] =	ssyncset.done $0x0  }
0x3a: {  	[sflag:s13] =	ssyncadd.s32 $0xFFFF8000  }
0x3b: {  	[tilespmem:s7], [sflag:$0x2] =	stream.strided.gather [hbm4b:s15+s4], $0x8000, s5, s4, $0x38;
	[tilespmem:$0x10000] =	vst v63  }
0x3c: {  	_ =	swait.ge [sflag:s8], $0x8000  }
0x3d: {  	[sflag:s8] =	ssyncset.done $0x0  }
0x3e: {  	[sflag:s8] =	ssyncadd.s32 $0xFFFF8000  }
0x3f: {  	[hbm4b:s16+s2] =	stream.linear.scatter [tilespmem:s2], [sflag:$0x3], $0x8000, $0x38;
	[tilespmem:$0x10000] =	vst v63  }
0x40: {  	_ =	swait.ge [sflag:s12], $0x8000  }
0x41: {  	[sflag:s12] =	ssyncset.done $0x0  }
0x42: {  	[sflag:s12] =	ssyncadd.s32 $0xFFFF8000  }
0x43: {  	[hbm4b:s17+s2] =	stream.linear.scatter [tilespmem:s7], [sflag:$0x4], $0x8000, $0x38;
	[tilespmem:$0x10000] =	vst v63  }
.Ltmp1:
0x44: {  	_ =	swait.ge [sflag:s10], $0x8000;
	(pc) =	sbr.rel @p0 .LBB2_1-.Ltmp1, $4  }
0x45: {  	[sflag:s10] =	ssyncset.done $0x0  }
0x46: {  	[sflag:s10] =	ssyncadd.s32 $0xFFFF8000  }
0x47: {  	_ =	swait.ge [sflag:s13], $0x8000  }
0x48: {  	[sflag:s13] =	ssyncset.done $0x0  }
.LBB2_2:
0x49: {  	[sflag:s13] =	ssyncadd.s32 $0xFFFF8000  }
0x4a: {  	_ =	sfence.sel $0x180000  }
0x4b: {  	[bflag:$0x0] =	sbarrier.arrive $0xFFFF  }
0x4c: {  	p0 =	sne.s32 s0, $0x0;
	_ =	strace $0x90000047  }
0x4d: {  	s0 =	sadd.s32 @!p0 $0x100000, s1;
	[bflag:$0x2] =	sbarrier.arrive $0xFFFF  }
0x4e: {  	[sflag:s0] =	ssyncadd.tile.s32 @!p0 $0x1;
	_ =	shalt  }
.Lfunc_end2:
_tile_overlayer_lowered:
.L_overlay_start_2:
0x4f: {  	(tag) =	ssettag $0x2  }
0x50: {  	s0 =	rddreg [dreg:$0x0];
	s2 =	stileid.u32  }
0x51: {  	s1 =	rddreg [dreg:$0x1];
	p0 =	sne.s32 s2, $0x0  }
0x52: {  	s3 =	rddreg [dreg:$0x2];
	[bflag:$0x3] =	sbarrier.arrive $0xFFFF;
	s2 =	simm.s32 @!p0 $0x1C05  }
0x53: {  	[timem:s3], [sflag:s2] =	dma.local @!p0 [hbm:s0], s1  }
0x54: {  	s0 =	simm.s32 @!p0 $0x5  }
0x55: {  	_ =	swait.ge @!p0 [sflag:s0], s1  }
0x56: {  	s1 =	ssub.s32 @!p0 $0x0, s1;
	[sflag:s0] =	ssyncset.done @!p0 $0x0  }
0x57: {  	[sflag:s0] =	ssyncadd.s32 @!p0 s1  }
0x58: {  	[bflag:$0x3] =	sbarrier.arrive $0xFFFF  }
0x59: {  	_ =	shalt  }

</sc_bundles>
